<compile_context>
chip_gen: v7x
topology: tpu7x:2x2x1
jax: 0.10.2.dev20260603
libtpu: 0.0.44.dev20260713+nightly
codegen_flags: <defaults>
</compile_context>

<pallas_src>
import functools

import jax
import jax.numpy as jnp
from jax import lax
from jax.experimental import pallas as pl
from jax.experimental.pallas import tpu as pltpu
from jax.experimental.pallas import tpu_sc as plsc

NC = 2
NS = 16
NW = NC * NS


@functools.lru_cache(maxsize=None)
def _make_gene_kernel(n_idx, gene_d):
    gb = n_idx // NW
    gc = 16
    nbuf = 4
    g_steps = gb // gc
    mesh = plsc.VectorSubcoreMesh(core_axis_name="c", subcore_axis_name="s")

    @functools.partial(
        pl.kernel,
        mesh=mesh,
        out_type=jax.ShapeDtypeStruct((n_idx, gene_d), jnp.float32),
        scratch_types=(
            [pltpu.VMEM((gb,), jnp.int32)]
            + [pltpu.VMEM((gc, gene_d), jnp.float32)] * nbuf
            + [pltpu.SemaphoreType.DMA] * (2 * nbuf)
        ),
    )
    def gene_kernel(ids_hbm, ptab_hbm, gene_out, gidx_v, *scratch):
        bufs = scratch[:nbuf]
        gsems = scratch[nbuf:2 * nbuf]
        wsems = scratch[2 * nbuf:]
        wid = lax.axis_index("s") * NC + lax.axis_index("c")
        wbase = wid * gb
        pltpu.sync_copy(ids_hbm.at[pl.ds(wbase, gb)], gidx_v)

        def wait_write(b):
            pltpu.make_async_copy(
                bufs[b], gene_out.at[pl.ds(wbase, gc)], wsems[b]).wait()

        def body(j, carry):
            c0 = j * nbuf
            gs = []
            for b in range(nbuf):
                @pl.when(j > 0)
                def _(b=b):
                    wait_write(b)
                gs.append(pltpu.async_copy(
                    ptab_hbm.at[gidx_v.at[pl.ds((c0 + b) * gc, gc)]],
                    bufs[b], gsems[b]))
            for b in range(nbuf):
                gs[b].wait()
                pltpu.async_copy(
                    bufs[b],
                    gene_out.at[pl.ds(wbase + (c0 + b) * gc, gc)],
                    wsems[b])
            return carry

        lax.fori_loop(0, g_steps // nbuf, body, 0, unroll=False)
        for b in range(nbuf):
            wait_write(b)

    return gene_kernel


@functools.lru_cache(maxsize=None)
def _make_expr_kernel(n_idx, vocab, expr_d):
    bn = 512
    nblk = n_idx // bn

    def body(idx_ref, tab_ref, out_ref):
        idx = idx_ref[0, 0, :]
        cols = lax.broadcasted_iota(jnp.int32, (bn, vocab), 1)
        onehot = (cols == idx[:, None]).astype(jnp.bfloat16)
        tab = tab_ref[...]
        hi = tab.astype(jnp.bfloat16)
        lo = (tab - hi.astype(jnp.float32)).astype(jnp.bfloat16)
        dn = (((1,), (0,)), ((), ()))
        out_ref[...] = (
            lax.dot_general(onehot, hi, dn, preferred_element_type=jnp.float32)
            + lax.dot_general(onehot, lo, dn, preferred_element_type=jnp.float32))

    return pl.pallas_call(
        body,
        grid=(nblk,),
        in_specs=[
            pl.BlockSpec((1, 1, bn), lambda i: (i, 0, 0)),
            pl.BlockSpec((vocab, expr_d), lambda i: (0, 0)),
        ],
        out_specs=pl.BlockSpec((bn, expr_d), lambda i: (i, 0)),
        out_shape=jax.ShapeDtypeStruct((n_idx, expr_d), jnp.float32),
    )


def kernel(input_ids, expr_bins, protein_emb, expr_table):
    b, l = input_ids.shape
    n = b * l
    ids = input_ids.reshape(n).astype(jnp.int32)
    bins = expr_bins.reshape(n).astype(jnp.int32)
    gene_d = protein_emb.shape[1]
    vocab, expr_d = expr_table.shape
    bn = 512
    expr = _make_expr_kernel(n, vocab, expr_d)(
        bins.reshape(n // bn, 1, bn), expr_table)
    gene = _make_gene_kernel(n, gene_d)(ids, protein_emb)
    return gene.reshape(b, l, gene_d), expr.reshape(b, l, expr_d)

# --- scband reference (transcript-rebuilt; emitter-appended) ---
"""Pipeline reference for scband-kirua-embedding-39874476376697 (READ-ONLY COPY).

The authoritative reference and input builder live on the scoring server;
editing this copy changes nothing except your own understanding.
"""

import jax, jax.numpy as jnp
import numpy as np

# Constants mirroring the torch module's globals
GENE_NUM_SPECIAL_TOKENS = 3
EXPR_NUM_SPECIAL_TOKENS = 3
EXPR_PAD_IDX = 1
N_PROTEINS = 20000
IN_MODEL = 1280
EXPR_BIN = 1000
D_MODEL = 256
B, L = 16, 2048


def setup_inputs(seed: int = 0) -> dict:
    key = jax.random.key(seed)
    k1, k2, k3, k4 = jax.random.split(key, 4)
    # Pretrained protein embedding loaded from emb_file, with dummy (zero) rows
    # prepended for the GENE_NUM_SPECIAL_TOKENS special tokens.
    protein_raw = jax.random.normal(k1, (N_PROTEINS, IN_MODEL), dtype=jnp.float32) * 0.02
    dummy = jnp.zeros((GENE_NUM_SPECIAL_TOKENS, IN_MODEL), dtype=jnp.float32)
    protein_emb = jnp.concatenate([dummy, protein_raw], axis=0)  # [20003, 1280]
    # Learned expression-bin embedding (nn.Embedding with padding_idx)
    expr_table = jax.random.normal(k2, (EXPR_BIN + EXPR_NUM_SPECIAL_TOKENS, D_MODEL), dtype=jnp.float32) * 0.02
    expr_table = expr_table.at[EXPR_PAD_IDX].set(0.0)
    input_ids = jax.random.randint(k3, (B, L), 0, N_PROTEINS + GENE_NUM_SPECIAL_TOKENS, dtype=jnp.int64 if jax.config.read('jax_enable_x64') else jnp.int32)
    expr_bins = jax.random.randint(k4, (B, L), 0, EXPR_BIN + EXPR_NUM_SPECIAL_TOKENS, dtype=jnp.int64 if jax.config.read('jax_enable_x64') else jnp.int32)
    return {
        'input_ids': input_ids,
        'expr_bins': expr_bins,
        'protein_emb': protein_emb,
        'expr_table': expr_table,
    }


def reference(input_ids, expr_bins, protein_emb, expr_table):
    # gene(): F.embedding(input_ids, protein_emb)
    gene_emb = jnp.take(protein_emb, input_ids, axis=0)  # [B, L, in_model]
    # expr(): self.expr_emb(expr_bins)
    expr_emb = jnp.take(expr_table, expr_bins, axis=0)  # [B, L, d_model]
    return (gene_emb, expr_emb)


if False:  # reference __main__ guard neutralized (emitter)
    inp = setup_inputs()
    out = reference(**inp)
    print(out[0].shape, out[1].shape)

if __name__ == "__main__":
    import jax
    _d = setup_inputs()
    print(jax.jit(kernel)(*tuple(_d.values())))

</pallas_src>

<mosaic_0001>
#map = affine_map<(d0, d1) -> (0)>
#map1 = affine_map<(d0, d1) -> (0, 0)>
module attributes {stable_mosaic.version = 14 : i64} {
  func.func @gene_kernel(%arg0: i32, %arg1: i32, %arg2: memref<32768xi32, #tpu.memory_space<hbm>>, %arg3: memref<20003x1280xf32, #tpu.memory_space<hbm>>, %arg4: memref<32768x1280xf32, #tpu.memory_space<hbm>>, %arg5: memref<1024xi32, #tpu.memory_space<vmem>>, %arg6: memref<16x1280xf32, #tpu.memory_space<vmem>>, %arg7: memref<16x1280xf32, #tpu.memory_space<vmem>>, %arg8: memref<16x1280xf32, #tpu.memory_space<vmem>>, %arg9: memref<16x1280xf32, #tpu.memory_space<vmem>>, %arg10: memref<!tpu.dma_semaphore, #tpu.memory_space<semaphore_mem>>, %arg11: memref<!tpu.dma_semaphore, #tpu.memory_space<semaphore_mem>>, %arg12: memref<!tpu.dma_semaphore, #tpu.memory_space<semaphore_mem>>, %arg13: memref<!tpu.dma_semaphore, #tpu.memory_space<semaphore_mem>>, %arg14: memref<!tpu.dma_semaphore, #tpu.memory_space<semaphore_mem>>, %arg15: memref<!tpu.dma_semaphore, #tpu.memory_space<semaphore_mem>>, %arg16: memref<!tpu.dma_semaphore, #tpu.memory_space<semaphore_mem>>, %arg17: memref<!tpu.dma_semaphore, #tpu.memory_space<semaphore_mem>>) attributes {dimension_semantics = [#tpu.dimension_semantics<core_parallel>, #tpu.dimension_semantics<subcore_parallel>], iteration_bounds = array<i64: 2, 16>, scalar_prefetch = 0 : i64, scratch_operands = 13 : i64, tpu.core_type = #tpu.core_type<sc_vector_subcore>, window_params = [{transform_indices = #map}, {transform_indices = #map1}, {transform_indices = #map1}]} {
    %mul3A = arith.constant 2 : i32
    %mul3A_0 = arith.muli %arg1, %mul3A : i32
    %add3A = arith.addi %mul3A_0, %arg0 : i32
    %mul3A_1 = arith.constant 1024 : i32
    %mul3A_2 = arith.muli %add3A, %mul3A_1 : i32
    "tpu.region"() ({
      %run_scoped3A = tpu.sem_alloc : memref<!tpu.dma_semaphore, #tpu.memory_space<semaphore_mem>>
      %dma_start3A = tpu.memref_slice %arg2[%mul3A_2] : memref<32768xi32, #tpu.memory_space<hbm>> -> memref<1024xi32, #tpu.memory_space<hbm>>
      %dma_start3A_23 = tpu.memref_slice %arg2[%mul3A_2] : memref<32768xi32, #tpu.memory_space<hbm>> -> memref<1024xi32, #tpu.memory_space<hbm>>
      tpu.enqueue_dma source(%dma_start3A_23 : memref<1024xi32, #tpu.memory_space<hbm>>) target(%arg5 : memref<1024xi32, #tpu.memory_space<vmem>>) target_semaphore(%run_scoped3A : memref<!tpu.dma_semaphore, #tpu.memory_space<semaphore_mem>>)
      %dma_wait3A_24 = tpu.memref_slice %arg2[%mul3A_2] : memref<32768xi32, #tpu.memory_space<hbm>> -> memref<1024xi32, #tpu.memory_space<hbm>>
      %dma_wait3A_25 = tpu.memref_slice %arg2[%mul3A_2] : memref<32768xi32, #tpu.memory_space<hbm>> -> memref<1024xi32, #tpu.memory_space<hbm>>
      tpu.wait_dma2 semaphore(%run_scoped3A : memref<!tpu.dma_semaphore, #tpu.memory_space<semaphore_mem>>) src(%dma_wait3A_25 : memref<1024xi32, #tpu.memory_space<hbm>>) dst(%arg5 : memref<1024xi32, #tpu.memory_space<vmem>>)
      tpu.yield
    }) : () -> ()
    %scan3A = arith.constant 0 : i32
    %scan3A_3 = arith.constant 0 : i32
    %scan3A_4 = arith.constant 16 : i32
    %scan3A_5 = arith.addi %scan3A_3, %scan3A_4 : i32
    %scan3A_6 = arith.constant 1 : i32
    scf.for %scan3A_23 = %scan3A_3 to %scan3A_5 step %scan3A_6  : i32 {
      %mul3A_24 = arith.constant 4 : i32
      %mul3A_25 = arith.muli %scan3A_23, %mul3A_24 : i32
      %gt3A = arith.constant 0 : i32
      %gt3A_26 = arith.cmpi sgt, %scan3A_23, %gt3A : i32
      %convert_element_type3A = arith.extui %gt3A_26 : i1 to i32
      %cond3A = arith.constant 0 : i32
      %cond3A_27 = arith.cmpi ne, %convert_element_type3A, %cond3A : i32
      scf.if %cond3A_27 {
        %dma_wait3A_126 = arith.constant 0 : i32
        %dma_wait3A_127 = tpu.memref_slice %arg4[%mul3A_2, %dma_wait3A_126] : memref<32768x1280xf32, #tpu.memory_space<hbm>> -> memref<16x1280xf32, #tpu.memory_space<hbm>>
        %dma_wait3A_128 = arith.constant 0 : i32
        %dma_wait3A_129 = tpu.memref_slice %arg4[%mul3A_2, %dma_wait3A_128] : memref<32768x1280xf32, #tpu.memory_space<hbm>> -> memref<16x1280xf32, #tpu.memory_space<hbm>>
        tpu.wait_dma2 semaphore(%arg14 : memref<!tpu.dma_semaphore, #tpu.memory_space<semaphore_mem>>) src(%arg6 : memref<16x1280xf32, #tpu.memory_space<vmem>>) dst(%dma_wait3A_129 : memref<16x1280xf32, #tpu.memory_space<hbm>>)
      } else {
      }
      %add3A_28 = arith.constant 0 : i32
      %add3A_29 = arith.addi %mul3A_25, %add3A_28 : i32
      %mul3A_30 = arith.constant 16 : i32
      %mul3A_31 = arith.muli %add3A_29, %mul3A_30 : i32
      %dma_start3A = tpu.memref_slice %arg5[%mul3A_31] : memref<1024xi32, #tpu.memory_space<vmem>> -> memref<16xi32, #tpu.memory_space<vmem>>
      %dma_start3A_32 = arith.constant 0 : i32
      %dma_start3A_33 = arith.constant 0 : i32
      %dma_start3A_34 = tpu.memref_slice %arg3[%dma_start3A_32, %dma_start3A_33] : memref<20003x1280xf32, #tpu.memory_space<hbm>> -> memref<20003x1280xf32, #tpu.memory_space<hbm>>
      tpu.enqueue_indirect_dma source(%dma_start3A_34 : memref<20003x1280xf32, #tpu.memory_space<hbm>>) target(%arg6 : memref<16x1280xf32, #tpu.memory_space<vmem>>) offsets(%dma_start3A : memref<16xi32, #tpu.memory_space<vmem>>) semaphore(%arg10 : memref<!tpu.dma_semaphore, #tpu.memory_space<semaphore_mem>>)
      %gt3A_35 = arith.constant 0 : i32
      %gt3A_36 = arith.cmpi sgt, %scan3A_23, %gt3A_35 : i32
      %convert_element_type3A_37 = arith.extui %gt3A_36 : i1 to i32
      %cond3A_38 = arith.constant 0 : i32
      %cond3A_39 = arith.cmpi ne, %convert_element_type3A_37, %cond3A_38 : i32
      scf.if %cond3A_39 {
        %dma_wait3A_126 = arith.constant 0 : i32
        %dma_wait3A_127 = tpu.memref_slice %arg4[%mul3A_2, %dma_wait3A_126] : memref<32768x1280xf32, #tpu.memory_space<hbm>> -> memref<16x1280xf32, #tpu.memory_space<hbm>>
        %dma_wait3A_128 = arith.constant 0 : i32
        %dma_wait3A_129 = tpu.memref_slice %arg4[%mul3A_2, %dma_wait3A_128] : memref<32768x1280xf32, #tpu.memory_space<hbm>> -> memref<16x1280xf32, #tpu.memory_space<hbm>>
        tpu.wait_dma2 semaphore(%arg15 : memref<!tpu.dma_semaphore, #tpu.memory_space<semaphore_mem>>) src(%arg7 : memref<16x1280xf32, #tpu.memory_space<vmem>>) dst(%dma_wait3A_129 : memref<16x1280xf32, #tpu.memory_space<hbm>>)
      } else {
      }
      %add3A_40 = arith.constant 1 : i32
      %add3A_41 = arith.addi %mul3A_25, %add3A_40 : i32
      %mul3A_42 = arith.constant 16 : i32
      %mul3A_43 = arith.muli %add3A_41, %mul3A_42 : i32
      %dma_start3A_44 = tpu.memref_slice %arg5[%mul3A_43] : memref<1024xi32, #tpu.memory_space<vmem>> -> memref<16xi32, #tpu.memory_space<vmem>>
      %dma_start3A_45 = arith.constant 0 : i32
      %dma_start3A_46 = arith.constant 0 : i32
      %dma_start3A_47 = tpu.memref_slice %arg3[%dma_start3A_45, %dma_start3A_46] : memref<20003x1280xf32, #tpu.memory_space<hbm>> -> memref<20003x1280xf32, #tpu.memory_space<hbm>>
      tpu.enqueue_indirect_dma source(%dma_start3A_47 : memref<20003x1280xf32, #tpu.memory_space<hbm>>) target(%arg7 : memref<16x1280xf32, #tpu.memory_space<vmem>>) offsets(%dma_start3A_44 : memref<16xi32, #tpu.memory_space<vmem>>) semaphore(%arg11 : memref<!tpu.dma_semaphore, #tpu.memory_space<semaphore_mem>>)
      %gt3A_48 = arith.constant 0 : i32
      %gt3A_49 = arith.cmpi sgt, %scan3A_23, %gt3A_48 : i32
      %convert_element_type3A_50 = arith.extui %gt3A_49 : i1 to i32
      %cond3A_51 = arith.constant 0 : i32
      %cond3A_52 = arith.cmpi ne, %convert_element_type3A_50, %cond3A_51 : i32
      scf.if %cond3A_52 {
        %dma_wait3A_126 = arith.constant 0 : i32
        %dma_wait3A_127 = tpu.memref_slice %arg4[%mul3A_2, %dma_wait3A_126] : memref<32768x1280xf32, #tpu.memory_space<hbm>> -> memref<16x1280xf32, #tpu.memory_space<hbm>>
        %dma_wait3A_128 = arith.constant 0 : i32
        %dma_wait3A_129 = tpu.memref_slice %arg4[%mul3A_2, %dma_wait3A_128] : memref<32768x1280xf32, #tpu.memory_space<hbm>> -> memref<16x1280xf32, #tpu.memory_space<hbm>>
        tpu.wait_dma2 semaphore(%arg16 : memref<!tpu.dma_semaphore, #tpu.memory_space<semaphore_mem>>) src(%arg8 : memref<16x1280xf32, #tpu.memory_space<vmem>>) dst(%dma_wait3A_129 : memref<16x1280xf32, #tpu.memory_space<hbm>>)
      } else {
      }
      %add3A_53 = arith.constant 2 : i32
      %add3A_54 = arith.addi %mul3A_25, %add3A_53 : i32
      %mul3A_55 = arith.constant 16 : i32
      %mul3A_56 = arith.muli %add3A_54, %mul3A_55 : i32
      %dma_start3A_57 = tpu.memref_slice %arg5[%mul3A_56] : memref<1024xi32, #tpu.memory_space<vmem>> -> memref<16xi32, #tpu.memory_space<vmem>>
      %dma_start3A_58 = arith.constant 0 : i32
      %dma_start3A_59 = arith.constant 0 : i32
      %dma_start3A_60 = tpu.memref_slice %arg3[%dma_start3A_58, %dma_start3A_59] : memref<20003x1280xf32, #tpu.memory_space<hbm>> -> memref<20003x1280xf32, #tpu.memory_space<hbm>>
      tpu.enqueue_indirect_dma source(%dma_start3A_60 : memref<20003x1280xf32, #tpu.memory_space<hbm>>) target(%arg8 : memref<16x1280xf32, #tpu.memory_space<vmem>>) offsets(%dma_start3A_57 : memref<16xi32, #tpu.memory_space<vmem>>) semaphore(%arg12 : memref<!tpu.dma_semaphore, #tpu.memory_space<semaphore_mem>>)
      %gt3A_61 = arith.constant 0 : i32
      %gt3A_62 = arith.cmpi sgt, %scan3A_23, %gt3A_61 : i32
      %convert_element_type3A_63 = arith.extui %gt3A_62 : i1 to i32
      %cond3A_64 = arith.constant 0 : i32
      %cond3A_65 = arith.cmpi ne, %convert_element_type3A_63, %cond3A_64 : i32
      scf.if %cond3A_65 {
        %dma_wait3A_126 = arith.constant 0 : i32
        %dma_wait3A_127 = tpu.memref_slice %arg4[%mul3A_2, %dma_wait3A_126] : memref<32768x1280xf32, #tpu.memory_space<hbm>> -> memref<16x1280xf32, #tpu.memory_space<hbm>>
        %dma_wait3A_128 = arith.constant 0 : i32
        %dma_wait3A_129 = tpu.memref_slice %arg4[%mul3A_2, %dma_wait3A_128] : memref<32768x1280xf32, #tpu.memory_space<hbm>> -> memref<16x1280xf32, #tpu.memory_space<hbm>>
        tpu.wait_dma2 semaphore(%arg17 : memref<!tpu.dma_semaphore, #tpu.memory_space<semaphore_mem>>) src(%arg9 : memref<16x1280xf32, #tpu.memory_space<vmem>>) dst(%dma_wait3A_129 : memref<16x1280xf32, #tpu.memory_space<hbm>>)
      } else {
      }
      %add3A_66 = arith.constant 3 : i32
      %add3A_67 = arith.addi %mul3A_25, %add3A_66 : i32
      %mul3A_68 = arith.constant 16 : i32
      %mul3A_69 = arith.muli %add3A_67, %mul3A_68 : i32
      %dma_start3A_70 = tpu.memref_slice %arg5[%mul3A_69] : memref<1024xi32, #tpu.memory_space<vmem>> -> memref<16xi32, #tpu.memory_space<vmem>>
      %dma_start3A_71 = arith.constant 0 : i32
      %dma_start3A_72 = arith.constant 0 : i32
      %dma_start3A_73 = tpu.memref_slice %arg3[%dma_start3A_71, %dma_start3A_72] : memref<20003x1280xf32, #tpu.memory_space<hbm>> -> memref<20003x1280xf32, #tpu.memory_space<hbm>>
      tpu.enqueue_indirect_dma source(%dma_start3A_73 : memref<20003x1280xf32, #tpu.memory_space<hbm>>) target(%arg9 : memref<16x1280xf32, #tpu.memory_space<vmem>>) offsets(%dma_start3A_70 : memref<16xi32, #tpu.memory_space<vmem>>) semaphore(%arg13 : memref<!tpu.dma_semaphore, #tpu.memory_space<semaphore_mem>>)
      %dma_wait3A_74 = tpu.memref_slice %arg5[%mul3A_31] : memref<1024xi32, #tpu.memory_space<vmem>> -> memref<16xi32, #tpu.memory_space<vmem>>
      %dma_wait3A_75 = arith.constant 0 : i32
      %dma_wait3A_76 = arith.constant 0 : i32
      %dma_wait3A_77 = tpu.memref_slice %arg3[%dma_wait3A_75, %dma_wait3A_76] : memref<20003x1280xf32, #tpu.memory_space<hbm>> -> memref<20003x1280xf32, #tpu.memory_space<hbm>>
      tpu.wait_indirect_dma semaphore(%arg10 : memref<!tpu.dma_semaphore, #tpu.memory_space<semaphore_mem>>) src(%dma_wait3A_77 : memref<20003x1280xf32, #tpu.memory_space<hbm>>) dst(%arg6 : memref<16x1280xf32, #tpu.memory_space<vmem>>)
      %add3A_78 = arith.constant 0 : i32
      %add3A_79 = arith.addi %mul3A_25, %add3A_78 : i32
      %mul3A_80 = arith.constant 16 : i32
      %mul3A_81 = arith.muli %add3A_79, %mul3A_80 : i32
      %add3A_82 = arith.addi %mul3A_2, %mul3A_81 : i32
      %dma_start3A_83 = arith.constant 0 : i32
      %dma_start3A_84 = tpu.memref_slice %arg4[%add3A_82, %dma_start3A_83] : memref<32768x1280xf32, #tpu.memory_space<hbm>> -> memref<16x1280xf32, #tpu.memory_space<hbm>>
      %dma_start3A_85 = arith.constant 0 : i32
      %dma_start3A_86 = tpu.memref_slice %arg4[%add3A_82, %dma_start3A_85] : memref<32768x1280xf32, #tpu.memory_space<hbm>> -> memref<16x1280xf32, #tpu.memory_space<hbm>>
      tpu.enqueue_dma source(%arg6 : memref<16x1280xf32, #tpu.memory_space<vmem>>) target(%dma_start3A_86 : memref<16x1280xf32, #tpu.memory_space<hbm>>) target_semaphore(%arg14 : memref<!tpu.dma_semaphore, #tpu.memory_space<semaphore_mem>>)
      %dma_wait3A_87 = tpu.memref_slice %arg5[%mul3A_43] : memref<1024xi32, #tpu.memory_space<vmem>> -> memref<16xi32, #tpu.memory_space<vmem>>
      %dma_wait3A_88 = arith.constant 0 : i32
      %dma_wait3A_89 = arith.constant 0 : i32
      %dma_wait3A_90 = tpu.memref_slice %arg3[%dma_wait3A_88, %dma_wait3A_89] : memref<20003x1280xf32, #tpu.memory_space<hbm>> -> memref<20003x1280xf32, #tpu.memory_space<hbm>>
      tpu.wait_indirect_dma semaphore(%arg11 : memref<!tpu.dma_semaphore, #tpu.memory_space<semaphore_mem>>) src(%dma_wait3A_90 : memref<20003x1280xf32, #tpu.memory_space<hbm>>) dst(%arg7 : memref<16x1280xf32, #tpu.memory_space<vmem>>)
      %add3A_91 = arith.constant 1 : i32
      %add3A_92 = arith.addi %mul3A_25, %add3A_91 : i32
      %mul3A_93 = arith.constant 16 : i32
      %mul3A_94 = arith.muli %add3A_92, %mul3A_93 : i32
      %add3A_95 = arith.addi %mul3A_2, %mul3A_94 : i32
      %dma_start3A_96 = arith.constant 0 : i32
      %dma_start3A_97 = tpu.memref_slice %arg4[%add3A_95, %dma_start3A_96] : memref<32768x1280xf32, #tpu.memory_space<hbm>> -> memref<16x1280xf32, #tpu.memory_space<hbm>>
      %dma_start3A_98 = arith.constant 0 : i32
      %dma_start3A_99 = tpu.memref_slice %arg4[%add3A_95, %dma_start3A_98] : memref<32768x1280xf32, #tpu.memory_space<hbm>> -> memref<16x1280xf32, #tpu.memory_space<hbm>>
      tpu.enqueue_dma source(%arg7 : memref<16x1280xf32, #tpu.memory_space<vmem>>) target(%dma_start3A_99 : memref<16x1280xf32, #tpu.memory_space<hbm>>) target_semaphore(%arg15 : memref<!tpu.dma_semaphore, #tpu.memory_space<semaphore_mem>>)
      %dma_wait3A_100 = tpu.memref_slice %arg5[%mul3A_56] : memref<1024xi32, #tpu.memory_space<vmem>> -> memref<16xi32, #tpu.memory_space<vmem>>
      %dma_wait3A_101 = arith.constant 0 : i32
      %dma_wait3A_102 = arith.constant 0 : i32
      %dma_wait3A_103 = tpu.memref_slice %arg3[%dma_wait3A_101, %dma_wait3A_102] : memref<20003x1280xf32, #tpu.memory_space<hbm>> -> memref<20003x1280xf32, #tpu.memory_space<hbm>>
      tpu.wait_indirect_dma semaphore(%arg12 : memref<!tpu.dma_semaphore, #tpu.memory_space<semaphore_mem>>) src(%dma_wait3A_103 : memref<20003x1280xf32, #tpu.memory_space<hbm>>) dst(%arg8 : memref<16x1280xf32, #tpu.memory_space<vmem>>)
      %add3A_104 = arith.constant 2 : i32
      %add3A_105 = arith.addi %mul3A_25, %add3A_104 : i32
      %mul3A_106 = arith.constant 16 : i32
      %mul3A_107 = arith.muli %add3A_105, %mul3A_106 : i32
      %add3A_108 = arith.addi %mul3A_2, %mul3A_107 : i32
      %dma_start3A_109 = arith.constant 0 : i32
      %dma_start3A_110 = tpu.memref_slice %arg4[%add3A_108, %dma_start3A_109] : memref<32768x1280xf32, #tpu.memory_space<hbm>> -> memref<16x1280xf32, #tpu.memory_space<hbm>>
      %dma_start3A_111 = arith.constant 0 : i32
      %dma_start3A_112 = tpu.memref_slice %arg4[%add3A_108, %dma_start3A_111] : memref<32768x1280xf32, #tpu.memory_space<hbm>> -> memref<16x1280xf32, #tpu.memory_space<hbm>>
      tpu.enqueue_dma source(%arg8 : memref<16x1280xf32, #tpu.memory_space<vmem>>) target(%dma_start3A_112 : memref<16x1280xf32, #tpu.memory_space<hbm>>) target_semaphore(%arg16 : memref<!tpu.dma_semaphore, #tpu.memory_space<semaphore_mem>>)
      %dma_wait3A_113 = tpu.memref_slice %arg5[%mul3A_69] : memref<1024xi32, #tpu.memory_space<vmem>> -> memref<16xi32, #tpu.memory_space<vmem>>
      %dma_wait3A_114 = arith.constant 0 : i32
      %dma_wait3A_115 = arith.constant 0 : i32
      %dma_wait3A_116 = tpu.memref_slice %arg3[%dma_wait3A_114, %dma_wait3A_115] : memref<20003x1280xf32, #tpu.memory_space<hbm>> -> memref<20003x1280xf32, #tpu.memory_space<hbm>>
      tpu.wait_indirect_dma semaphore(%arg13 : memref<!tpu.dma_semaphore, #tpu.memory_space<semaphore_mem>>) src(%dma_wait3A_116 : memref<20003x1280xf32, #tpu.memory_space<hbm>>) dst(%arg9 : memref<16x1280xf32, #tpu.memory_space<vmem>>)
      %add3A_117 = arith.constant 3 : i32
      %add3A_118 = arith.addi %mul3A_25, %add3A_117 : i32
      %mul3A_119 = arith.constant 16 : i32
      %mul3A_120 = arith.muli %add3A_118, %mul3A_119 : i32
      %add3A_121 = arith.addi %mul3A_2, %mul3A_120 : i32
      %dma_start3A_122 = arith.constant 0 : i32
      %dma_start3A_123 = tpu.memref_slice %arg4[%add3A_121, %dma_start3A_122] : memref<32768x1280xf32, #tpu.memory_space<hbm>> -> memref<16x1280xf32, #tpu.memory_space<hbm>>
      %dma_start3A_124 = arith.constant 0 : i32
      %dma_start3A_125 = tpu.memref_slice %arg4[%add3A_121, %dma_start3A_124] : memref<32768x1280xf32, #tpu.memory_space<hbm>> -> memref<16x1280xf32, #tpu.memory_space<hbm>>
      tpu.enqueue_dma source(%arg9 : memref<16x1280xf32, #tpu.memory_space<vmem>>) target(%dma_start3A_125 : memref<16x1280xf32, #tpu.memory_space<hbm>>) target_semaphore(%arg17 : memref<!tpu.dma_semaphore, #tpu.memory_space<semaphore_mem>>)
    }
    %scan3A_7 = arith.constant 16 : i32
    %dma_wait3A = arith.constant 0 : i32
    %dma_wait3A_8 = tpu.memref_slice %arg4[%mul3A_2, %dma_wait3A] : memref<32768x1280xf32, #tpu.memory_space<hbm>> -> memref<16x1280xf32, #tpu.memory_space<hbm>>
    %dma_wait3A_9 = arith.constant 0 : i32
    %dma_wait3A_10 = tpu.memref_slice %arg4[%mul3A_2, %dma_wait3A_9] : memref<32768x1280xf32, #tpu.memory_space<hbm>> -> memref<16x1280xf32, #tpu.memory_space<hbm>>
    tpu.wait_dma2 semaphore(%arg14 : memref<!tpu.dma_semaphore, #tpu.memory_space<semaphore_mem>>) src(%arg6 : memref<16x1280xf32, #tpu.memory_space<vmem>>) dst(%dma_wait3A_10 : memref<16x1280xf32, #tpu.memory_space<hbm>>)
    %dma_wait3A_11 = arith.constant 0 : i32
    %dma_wait3A_12 = tpu.memref_slice %arg4[%mul3A_2, %dma_wait3A_11] : memref<32768x1280xf32, #tpu.memory_space<hbm>> -> memref<16x1280xf32, #tpu.memory_space<hbm>>
    %dma_wait3A_13 = arith.constant 0 : i32
    %dma_wait3A_14 = tpu.memref_slice %arg4[%mul3A_2, %dma_wait3A_13] : memref<32768x1280xf32, #tpu.memory_space<hbm>> -> memref<16x1280xf32, #tpu.memory_space<hbm>>
    tpu.wait_dma2 semaphore(%arg15 : memref<!tpu.dma_semaphore, #tpu.memory_space<semaphore_mem>>) src(%arg7 : memref<16x1280xf32, #tpu.memory_space<vmem>>) dst(%dma_wait3A_14 : memref<16x1280xf32, #tpu.memory_space<hbm>>)
    %dma_wait3A_15 = arith.constant 0 : i32
    %dma_wait3A_16 = tpu.memref_slice %arg4[%mul3A_2, %dma_wait3A_15] : memref<32768x1280xf32, #tpu.memory_space<hbm>> -> memref<16x1280xf32, #tpu.memory_space<hbm>>
    %dma_wait3A_17 = arith.constant 0 : i32
    %dma_wait3A_18 = tpu.memref_slice %arg4[%mul3A_2, %dma_wait3A_17] : memref<32768x1280xf32, #tpu.memory_space<hbm>> -> memref<16x1280xf32, #tpu.memory_space<hbm>>
    tpu.wait_dma2 semaphore(%arg16 : memref<!tpu.dma_semaphore, #tpu.memory_space<semaphore_mem>>) src(%arg8 : memref<16x1280xf32, #tpu.memory_space<vmem>>) dst(%dma_wait3A_18 : memref<16x1280xf32, #tpu.memory_space<hbm>>)
    %dma_wait3A_19 = arith.constant 0 : i32
    %dma_wait3A_20 = tpu.memref_slice %arg4[%mul3A_2, %dma_wait3A_19] : memref<32768x1280xf32, #tpu.memory_space<hbm>> -> memref<16x1280xf32, #tpu.memory_space<hbm>>
    %dma_wait3A_21 = arith.constant 0 : i32
    %dma_wait3A_22 = tpu.memref_slice %arg4[%mul3A_2, %dma_wait3A_21] : memref<32768x1280xf32, #tpu.memory_space<hbm>> -> memref<16x1280xf32, #tpu.memory_space<hbm>>
    tpu.wait_dma2 semaphore(%arg17 : memref<!tpu.dma_semaphore, #tpu.memory_space<semaphore_mem>>) src(%arg9 : memref<16x1280xf32, #tpu.memory_space<vmem>>) dst(%dma_wait3A_22 : memref<16x1280xf32, #tpu.memory_space<hbm>>)
    return
  }
}

module attributes {stable_mosaic.version = 14 : i64} {
  func.func @body(%arg0: i32, %arg1: memref<1x1x512xi32, #tpu.memory_space<vmem>>, %arg2: memref<1003x256xf32, #tpu.memory_space<vmem>>, %arg3: memref<512x256xf32, #tpu.memory_space<vmem>>) attributes {dimension_semantics = [#tpu.dimension_semantics<arbitrary>], iteration_bounds = array<i64: 64>, scalar_prefetch = 0 : i64, scratch_operands = 0 : i64, tpu.core_type = #tpu.core_type<tc>, window_params = [{transform_indices = @transform_0, window_bounds = array<i64: 1, 1, 512>}, {pipeline_mode = #tpu.pipeline_mode<synchronous>, transform_indices = @transform_1, window_bounds = array<i64: 1003, 256>}, {transform_indices = @transform_2, window_bounds = array<i64: 512, 256>}]} {
    %get3A = arith.constant 0 : index
    %get3A_0 = arith.constant 0 : index
    %get3A_1 = arith.constant 0 : index
    %get3A_2 = vector.load %arg1[%get3A, %get3A_0, %get3A_1] : memref<1x1x512xi32, #tpu.memory_space<vmem>>, vector<1x1x512xi32>
    %get3A_3 = vector.shape_cast %get3A_2 : vector<1x1x512xi32> to vector<512xi32>
    %iota3A = tpu.iota {dimensions = array<i32: 1>} : vector<512x1003xi32>
    %broadcast_in_dim3A = vector.shape_cast %get3A_3 : vector<512xi32> to vector<512x1xi32>
    %eq3A = vector.broadcast %broadcast_in_dim3A : vector<512x1xi32> to vector<512x1003xi32>
    %eq3A_4 = arith.cmpi eq, %iota3A, %eq3A : vector<512x1003xi32>
    %convert_element_type3A = arith.extui %eq3A_4 : vector<512x1003xi1> to vector<512x1003xi32>
    %convert_element_type3A_5 = arith.sitofp %convert_element_type3A : vector<512x1003xi32> to vector<512x1003xf32>
    %convert_element_type3A_6 = arith.truncf %convert_element_type3A_5 : vector<512x1003xf32> to vector<512x1003xbf16>
    %get3A_7 = arith.constant 0 : index
    %get3A_8 = arith.constant 0 : index
    %get3A_9 = vector.load %arg2[%get3A_7, %get3A_8] : memref<1003x256xf32, #tpu.memory_space<vmem>>, vector<1003x256xf32>
    %convert_element_type3A_10 = arith.truncf %get3A_9 : vector<1003x256xf32> to vector<1003x256xbf16>
    %convert_element_type3A_11 = arith.extf %convert_element_type3A_10 : vector<1003x256xbf16> to vector<1003x256xf32>
    %sub3A = arith.subf %get3A_9, %convert_element_type3A_11 : vector<1003x256xf32>
    %convert_element_type3A_12 = arith.truncf %sub3A : vector<1003x256xf32> to vector<1003x256xbf16>
    %dot_general3A = arith.constant dense<0.000000e+00> : vector<512x256xf32>
    %dot_general3A_13 = tpu.matmul %convert_element_type3A_6, %convert_element_type3A_10, %dot_general3A {dimension_numbers = #tpu.dot_dimension_numbers<[1], [0], [0], [1], [0, 0, 1, 1], [], []>, transpose_lhs_hint = false} : vector<512x1003xbf16>, vector<1003x256xbf16>, vector<512x256xf32> -> vector<512x256xf32>
    %dot_general3A_14 = arith.constant dense<0.000000e+00> : vector<512x256xf32>
    %dot_general3A_15 = tpu.matmul %convert_element_type3A_6, %convert_element_type3A_12, %dot_general3A_14 {dimension_numbers = #tpu.dot_dimension_numbers<[1], [0], [0], [1], [0, 0, 1, 1], [], []>, transpose_lhs_hint = false} : vector<512x1003xbf16>, vector<1003x256xbf16>, vector<512x256xf32> -> vector<512x256xf32>
    %add3A = arith.addf %dot_general3A_13, %dot_general3A_15 : vector<512x256xf32>
    %swap3A = arith.constant 0 : index
    %swap3A_16 = arith.constant 0 : index
    %swap3A_17 = vector.load %arg3[%swap3A, %swap3A_16] : memref<512x256xf32, #tpu.memory_space<vmem>>, vector<512x256xf32>
    tpu.vector_store %arg3[%swap3A, %swap3A_16], %add3A {strides = array<i32>} : memref<512x256xf32, #tpu.memory_space<vmem>>, vector<512x256xf32>,
    return
  }
  func.func @transform_0(%arg0: i32) -> (i32, i32, i32) {
    %c0_i32 = arith.constant 0 : i32
    %c0_i32_0 = arith.constant 0 : i32
    %c0_i32_1 = arith.constant 0 : i32
    return %arg0, %c0_i32, %c0_i32_0 : i32, i32, i32
  }
  func.func @transform_1(%arg0: i32) -> (i32, i32) {
    %c0_i32 = arith.constant 0 : i32
    %c0_i32_0 = arith.constant 0 : i32
    %c0_i32_1 = arith.constant 0 : i32
    return %c0_i32, %c0_i32_0 : i32, i32
  }
  func.func @transform_2(%arg0: i32) -> (i32, i32) {
    %c0_i32 = arith.constant 0 : i32
    %c0_i32_0 = arith.constant 0 : i32
    return %arg0, %c0_i32 : i32, i32
  }
}

</mosaic_0001>

<sc_bundles>
// kernel: kernel.4.cloned.1.call-start
scs
__scs_entry_jumppad:
0x0: {  	(pc) =	sbr.rel $0x88, $3  }
0x1: {  	(tag) =	ssettag $0x0;
	lr =	simm.s32 $0x1  }
0x2: {  	[smem:$0x3F9D] =	sst lr;
	_ =	strace $0xD0000000  }
0x3: {  	_ = 	snop  }
0x4: {  	_ = 	snop  }
0x5: {  	_ = 	snop  }
0x6: {  	_ = 	snop  }
0x7: {  	_ = 	snop  }
__scs_overlays_trampoline_lowered:
0x8: {  	[smem:$0x3FAC] =	sst s0  }
0x9: {  	[smem:$0x3FAD] =	sst s1  }
0xa: {  	[smem:$0x3FAE] =	sst s2  }
0xb: {  	[smem:$0x3FAF] =	sst s3  }
0xc: {  	[smem:$0x3FB0] =	sst s4  }
0xd: {  	[smem:$0x3FB1] =	sst s5  }
0xe: {  	[smem:$0x3FB2] =	sst s6  }
0xf: {  	[smem:$0x3FB3] =	sst s7  }
0x10: {  	[smem:$0x3FB4] =	sst s8  }
0x11: {  	[smem:$0x3FB5] =	sst s9;
	s0 =	simm.s32 @!p0 $0x0  }
0x12: {  	s1 =	sld [smem:$0x3F9B];
	s0 =	simm.s32 @p0 $0x1  }
0x13: {  	[smem:$0x3FB6] =	sst s0;
	s0 =	simm.s32 @!p1 $0x0  }
0x14: {  	s2 =	sld [smem:$0x3F9A];
	s0 =	simm.s32 @p1 $0x1  }
0x15: {  	[smem:$0x3FB7] =	sst s0;
	s0 =	simm.s32 @!p2 $0x0  }
0x16: {  	s3 =	sld [smem:$0x3FDB];
	s0 =	simm.s32 @p2 $0x1  }
0x17: {  	s4 =	simm.s32 $0x1BF5;
	[smem:$0x3FB9] =	sst s0  }
0x18: {  	s0 =	sld [smem:$0x3F9C];
	_ =	swait.ge [sflag:s4], $0x0  }
0x19: {  	s7 =	sld [smem:$0x3F9D]  }
0x1a: {  	s8 =	sadd.s32 $0xFFFFE003, lr  }
0x1b: {  	s9 =	sadd.s32 $0xFFFFFEF7, lr;
	s5 =	simm.s32 $0xFFFFFFFF;
	p2 =	slt.u32 s8, $0xFFFFF086  }
0x1c: {  	p1 =	slt.u32 s9, $0xF7A;
	s5 =	simm.s32 @!p2 $0x0  }
0x1d: {  	s5 =	simm.s32 @p1 $0x1;
	p0 =	seq.s32 s7, s2  }
0x1e: {  	s7 =	smul.u32 @!p0 $0xF7A, s2;
	p2 =	seq.s32 @!p0 s5, $0x0  }
0x1f: {  	s9 =	smul.u32 $0xF7A, s1;
	s8 =	simm.s32 @!p0 $0x1BF5;
	p2 =	por !p2, p0  }
0x20: {  	[sflag:s8] =	ssyncset.s32 @!p0 $0xFFFFF086;
	s6 =	sadd.s32 @!p0 s3, s7;
	s7 =	simm.s32 @!p0 $0x108  }
0x21: {  	s3 =	sadd.s32 s3, s9;
	s6 =	sadd.s32 @!p0 $0x88, s6;
	s7 =	simm.s32 @p2 $0x1082  }
0x22: {  	[simem:s7], [sflag:s8] =	dma.local @!p0 [hbm:s6], $0xF7A  }
0x23: {  	s9 =	sor.u32 $0xD0000000, s2;
	s6 =	simm.s32 $0x108;
	_ =	swait.ge @!p0 [sflag:s8], $0x0  }
0x24: {  	s3 =	sadd.s32 $0x88, s3;
	s6 =	simm.s32 @!p1 $0x1082;
	[sflag:s4] =	ssyncset.s32 $0xFFFFF086  }
0x25: {  	[simem:s6], [sflag:s4] =	dma.local [hbm:s3], $0xF7A  }
0x26: {  	[smem:$0x3F9D] =	sst s1;
	(tag) =	ssettag s2;
	_ =	strace s9  }
0x27: {  	s1 =	sld [smem:$0x3FAD]  }
0x28: {  	s2 =	sld [smem:$0x3FAE]  }
0x29: {  	s4 =	sld [smem:$0x3FB0]  }
0x2a: {  	p0 =	seq.s32 s5, $0x0;
	s5 =	sld [smem:$0x3FB1]  }
0x2b: {  	s6 =	sld [smem:$0x3FB2]  }
0x2c: {  	s7 =	sld [smem:$0x3FB3]  }
0x2d: {  	s3 =	simm.s32 $0x108;
	s8 =	sld [smem:$0x3FB4]  }
0x2e: {  	s3 =	simm.s32 @!p0 $0x1082;
	s9 =	sld [smem:$0x3FB5]  }
0x2f: {  	lr =	sadd.s32 s0, s3;
	s0 =	sld [smem:$0x3FAC]  }
0x30: {  	s3 =	sld [smem:$0x3FAF]  }
0x31: {  	[smem:$0x3FB8] =	sst s10  }
0x32: {  	s10 =	sld [smem:$0x3FB6];
	_ =	sdelay $0x3  }
0x33: {  	p0 =	seq.s32 s10, $0x1;
	s10 =	sld [smem:$0x3FB8];
	_ =	sdelay $0x3  }
0x34: {  	[smem:$0x3FB8] =	sst s10  }
0x35: {  	s10 =	sld [smem:$0x3FB7];
	_ =	sdelay $0x3  }
0x36: {  	p1 =	seq.s32 s10, $0x1;
	s10 =	sld [smem:$0x3FB8];
	_ =	sdelay $0x3  }
0x37: {  	[smem:$0x3FB8] =	sst s10  }
0x38: {  	s10 =	sld [smem:$0x3FB9]  }
0x39: {  	_ = 	snop;
	(pc) =	sbr.ind lr, $3  }
0x3a: {  	_ = 	snop  }
0x3b: {  	_ = 	snop  }
0x3c: {  	p2 =	seq.s32 s10, $0x1;
	s10 =	sld [smem:$0x3FB8]  }
0x3d: {  	_ =	shalt  }
0x3e: {  	_ =	shalt  }
0x3f: {  	_ =	shalt  }
0x40: {  	_ =	shalt  }
0x41: {  	_ =	shalt  }
0x42: {  	_ =	shalt  }
0x43: {  	_ =	shalt  }
0x44: {  	_ =	shalt  }
0x45: {  	_ =	shalt  }
0x46: {  	_ =	shalt  }
0x47: {  	_ =	shalt  }
0x48: {  	_ =	shalt  }
0x49: {  	_ =	shalt  }
0x4a: {  	_ =	shalt  }
0x4b: {  	_ =	shalt  }
0x4c: {  	_ =	shalt  }
0x4d: {  	_ =	shalt  }
0x4e: {  	_ =	shalt  }
0x4f: {  	_ =	shalt  }
0x50: {  	_ =	shalt  }
0x51: {  	_ =	shalt  }
0x52: {  	_ =	shalt  }
0x53: {  	_ =	shalt  }
0x54: {  	_ =	shalt  }
0x55: {  	_ =	shalt  }
0x56: {  	_ =	shalt  }
0x57: {  	_ =	shalt  }
0x58: {  	_ =	shalt  }
0x59: {  	_ =	shalt  }
0x5a: {  	_ =	shalt  }
0x5b: {  	_ =	shalt  }
0x5c: {  	_ =	shalt  }
0x5d: {  	_ =	shalt  }
0x5e: {  	_ =	shalt  }
0x5f: {  	_ =	shalt  }
0x60: {  	_ =	shalt  }
0x61: {  	_ =	shalt  }
0x62: {  	_ =	shalt  }
0x63: {  	_ =	shalt  }
0x64: {  	_ =	shalt  }
0x65: {  	_ =	shalt  }
0x66: {  	_ =	shalt  }
0x67: {  	_ =	shalt  }
0x68: {  	_ =	shalt  }
0x69: {  	_ =	shalt  }
0x6a: {  	_ =	shalt  }
0x6b: {  	_ =	shalt  }
0x6c: {  	_ =	shalt  }
0x6d: {  	_ =	shalt  }
0x6e: {  	_ =	shalt  }
0x6f: {  	_ =	shalt  }
0x70: {  	_ =	shalt  }
0x71: {  	_ =	shalt  }
0x72: {  	_ =	shalt  }
0x73: {  	_ =	shalt  }
0x74: {  	_ =	shalt  }
0x75: {  	_ =	shalt  }
0x76: {  	_ =	shalt  }
0x77: {  	_ =	shalt  }
0x78: {  	_ =	shalt  }
0x79: {  	_ =	shalt  }
0x7a: {  	_ =	shalt  }
0x7b: {  	_ =	shalt  }
0x7c: {  	_ =	shalt  }
0x7d: {  	_ =	shalt  }
0x7e: {  	_ =	shalt  }
0x7f: {  	_ =	shalt  }
0x80: {  	_ =	shalt  }
0x81: {  	_ =	shalt  }
0x82: {  	_ =	shalt  }
0x83: {  	_ =	shalt  }
0x84: {  	_ =	shalt  }
0x85: {  	_ =	shalt  }
0x86: {  	_ =	shalt  }
0x87: {  	_ =	shalt  }
.Lfunc_end0:
.L_simem_size_0:
called_computation_lowered:
.L_overlay_start_0:
0x88: {  	s2 =	sld [smem:$0x3FD9]  }
0x89: {  	s3 =	sld [smem:$0x3FFE];
	_ =	sdelay $0x1  }
0x8a: {  	s1 =	srdreg.scid  }
0x8b: {  	s0 =	sand.u32 $0x1, s1  }
0x8c: {  	s14 =	sshll.u32 s0, $0xA;
	s2 =	sadd.s32 s3, s2  }
0x8d: {  	s2 =	sadd.s32 s2, s14  }
0x8e: {  	[smem:$0x3FC4] =	sst s2  }
0x8f: {  	_ = 	snop  }
0x90: {  	s2 =	sld [smem:$0x3FD0];
	_ =	sdelay $0x2  }
0x91: {  	s4 =	simm.s32 $0xA;
	s5 =	simm.s32 $0x10;
	s15 =	sld [smem:$0x3FC7]  }
0x92: {  	[smem:s5], [sflag:s4] =	dma.local [hbm:s2], $0x1  }
0x93: {  	_ =	swait.eq [sflag:s4], $0x1  }
0x94: {  	[sflag:s4] =	ssyncset.done $0x0  }
0x95: {  	[sflag:s4] =	ssyncadd.s32 $0xFFFFFFFF  }
0x96: {  	s16 =	sld [smem:$0x10];
	(tm) =	ssettm $0x1  }
0x97: {  	s17 =	sld [smem:$0x3FFB];
	_ =	sdelay $0x3  }
0x98: {  	_ =	strace s17  }
0x99: {  	s4 =	sld [smem:$0x3FFC];
	_ =	sdelay $0x3  }
0x9a: {  	_ =	strace s4  }
0x9b: {  	s4 =	sld [smem:$0x3FFD];
	_ =	sdelay $0x3  }
0x9c: {  	_ =	strace s4  }
0x9d: {  	_ =	strace $0x8FFFFFFF  }
0x9e: {  	s18 =	sld [smem:$0x3FDB];
	_ =	sdelay $0x1  }
0x9f: {  	s19 =	simm.s32 $_scs_section_size  }
0xa0: {  	s6 =	simm.s32 $_size__tile_overlayer_lowered;
	s7 =	simm.s32 $_tile_overlayer_lowered  }
0xa1: {  	s22 =	simm.s32 $0x1BFF;
	s21 =	sshll.u32 s7, $0x1;
	s4 =	sadd.s32 s19, s18  }
0xa2: {  	s8 =	simm.s32 $0x0;
	s20 =	sshll.u32 s6, $0x1;
	s6 =	sadd.s32 s21, s4  }
0xa3: {  	[timem:s8], [sflag:s22] =	dma.local [hbm:s6], s20  }
0xa4: {  	_ =	swait.ge [sflag:s22], s20  }
0xa5: {  	s5 =	ssub.s32 $0x0, s20;
	[sflag:s22] =	ssyncset.done $0x0  }
0xa6: {  	[sflag:s22] =	ssyncadd.s32 s5;
	_ =	sdelay $0x1  }
0xa7: {  	s23 =	simm.s32 $0x1B8B  }
0xa8: {  	_ =	swait.ge [sflag:s23], $0x1  }
0xa9: {  	[sflag:s23] =	ssyncset.done $0x0  }
0xaa: {  	s25 =	simm.s32 $0x1B8E;
	s24 =	sld [smem:$0x3FFE];
	[sflag:s23] =	ssyncadd.s32 $0xFFFFFFFF  }
0xab: {  	s26 =	simm.s32 $execute0_lowered;
	[smem:$0x3FD2] =	sst s25  }
0xac: {  	s6 =	sshll.u32 s26, $0x1;
	_ =	strace $0x80000046;
	[dreg:$0x1] =	wrdreg $0xFFFFFFFF  }
0xad: {  	s28 =	simm.s32 $_size_execute0_lowered;
	s4 =	sadd.s32 s4, s6;
	[dreg:$0x0] =	wrdreg $0x0  }
0xae: {  	s6 =	sshll.u32 s28, $0x1;
	[dreg:$0x2] =	wrdreg s4  }
0xaf: {  	[dreg:$0x3] =	wrdreg s6  }
0xb0: {  	[dreg:$0x4] =	wrdreg $0xC0  }
0xb1: {  	_ =	task [dreg:s8], $0x5FFFF  }
0xb2: {  	[dreg:$0x1] =	wrdreg $0xFFFFFFFF  }
0xb3: {  	[dreg:$0x0] =	wrdreg $0x60  }
0xb4: {  	[dreg:$0x2] =	wrdreg s24  }
0xb5: {  	[dreg:$0x3] =	wrdreg s15  }
0xb6: {  	[dreg:$0x4] =	wrdreg s16  }
0xb7: {  	[dreg:$0x5] =	wrdreg $0x9  }
0xb8: {  	_ =	task.clear_ibuf [dreg:s8], $0x6FFFF;
	_ =	strace $0x90000046  }
0xb9: {  	s29 =	simm.s32 $0x9;
	_ =	strace $0x80000048  }
0xba: {  	_ =	swait.ge [sflag:s29], $0x1  }
0xbb: {  	[sflag:s29] =	ssyncadd.s32 $0xFFFFFFFF  }
0xbc: {  	_ =	strace $0x90000048  }
0xbd: {  	_ =	sfence  }
0xbe: {  	s30 =	sld [smem:$0x0];
	_ =	sdelay $0x2  }
0xbf: {  	s31 =	sshll.u32 s1, $0xD;
	s1 =	sshrl.u32 s1, $0x2  }
0xc0: {  	s3 =	sand.u32 $0x4000, s31;
	s1 =	sadd.s32 s1, s30  }
0xc1: {  	s0 =	sor.u32 s3, s0;
	s1 =	sshll.u32 s1, $0x11  }
0xc2: {  	s0 =	sor.u32 s1, s0  }
0xc3: {  	s0 =	sadd.s32 $0x8F2B, s0  }
0xc4: {  	[sflag:s0] =	ssyncadd.remote.s32 $0x1  }
0xc5: {  	_ =	sfence.sel $0xFFFF  }
0xc6: {  	[dreg:$0x0] =	wrdreg $0xFFFFFFFF;
	(pc) =	sbr.abs _section_cstart, $3  }
0xc7: {  	[dreg:$0x1] =	wrdreg $0xFFFFFFFF  }
0xc8: {  	_ =	task.clear_ibuf [dreg:s8], $0x2FFFF;
	_ =	strace $0x9FFFFFFF  }
0xc9: {  	(tm) =	ssettm $0x7FFFFFFF  }
tec
execute0_lowered:
.L_overlay_start_1:
0x0: {  	(tag) =	ssettag $0x1  }
0x1: {  	s1 =	srdreg.scid  }
0x2: {  	s4 =	rddreg [dreg:$0x0];
	s0 =	stileid.u32;
	s1 =	sand.u32 $0x1, s1  }
0x3: {  	s2 =	rddreg [dreg:$0x1];
	s3 =	sshll.u32 s0, $0xB;
	s5 =	sshll.u32 s1, $0xA  }
0x4: {  	s6 =	rddreg [dreg:$0x2];
	s5 =	sor.u32 s5, s3;
	s3 =	simm.s32 $0x0  }
0x5: {  	s19 =	simm.s32 $0xC00;
	[smem:$0x7FF] =	sst s3  }
0x6: {  	s20 =	simm.s32 $0x1400;
	_ =	strace $0x80000047;
	[dreg:$0x8] =	wrdreg s19  }
0x7: {  	s21 =	simm.s32 $0x1C00;
	[dreg:$0x9] =	wrdreg s20  }
0x8: {  	s22 =	simm.s32 $0x2400;
	s23 =	simm.s32 $0x2C00;
	[dreg:$0xa] =	wrdreg s21  }
0x9: {  	s24 =	simm.s32 $0x3400;
	s25 =	simm.s32 $0x3C00;
	[dreg:$0xb] =	wrdreg s22  }
0xa: {  	s26 =	simm.s32 $0x4400;
	s31 =	simm.s32 $0x4C00;
	[dreg:$0xc] =	wrdreg s23  }
0xb: {  	s10 =	simm.s32 $0x7C00;
	s11 =	simm.s32 $0x8400;
	[dreg:$0xd] =	wrdreg s24  }
0xc: {  	s12 =	simm.s32 $0x8C00;
	s13 =	simm.s32 $0x9400;
	[dreg:$0xe] =	wrdreg s25  }
0xd: {  	s14 =	simm.s32 $0x9C00;
	s15 =	simm.s32 $0xAC00;
	[dreg:$0xf] =	wrdreg s26  }
0xe: {  	s28 =	simm.s32 $0x7;
	s0 =	simm.s32 $0x5C00;
	[dreg:$0x10] =	wrdreg s31  }
0xf: {  	s29 =	simm.s32 $0x8;
	s30 =	simm.s32 $0x0;
	[dreg:$0x11] =	wrdreg s0  }
0x10: {  	s1 =	ssub.s32 $0x2, s1;
	s7 =	sor.u32 $0x20, s5;
	[dreg:$0x15] =	wrdreg s10  }
0x11: {  	s8 =	sor.u32 $0x10, s5;
	s9 =	sor.u32 $0x30, s5;
	[dreg:$0x16] =	wrdreg s11  }
0x12: {  	s5 =	sshrl.u32 s5, $0x3;
	s7 =	sshrl.u32 s7, $0x3;
	[dreg:$0x17] =	wrdreg s12  }
0x13: {  	s8 =	sshrl.u32 s8, $0x3;
	s9 =	sshrl.u32 s9, $0x3;
	[dreg:$0x18] =	wrdreg s13  }
0x14: {  	s17 =	smul.u32 $0x500, s5;
	s4 =	sadd.s32 s5, s4;
	[dreg:$0x19] =	wrdreg s14  }
0x15: {  	[dreg:$0x1a] =	wrdreg s15;
	s20 =	simm.s32 $0xC400;
	s5 =	sadd.s32 $0x100, s2  }
0x16: {  	s21 =	simm.s32 $0xCC00;
	s22 =	simm.s32 $0xD400;
	[dreg:$0x1d] =	wrdreg s20  }
0x17: {  	s23 =	simm.s32 $0xDC00;
	s10 =	simm.s32 $0xE400;
	[dreg:$0x1e] =	wrdreg s21  }
0x18: {  	s24 =	simm.s32 $0xEC00;
	s25 =	simm.s32 $0xFC00;
	[dreg:$0x1f] =	wrdreg s22  }
0x19: {  	s11 =	simm.s32 $0x400;
	s26 =	simm.s32 $0x10400;
	[smem:$0x7F8] =	sst s23  }
0x1a: {  	s12 =	simm.s32 $0x5400;
	s31 =	simm.s32 $0x10C00;
	[smem:$0x7F9] =	sst s10  }
0x1b: {  	s13 =	simm.s32 $0xA400;
	s7 =	smul.u32 $0x500, s7;
	[smem:$0x7FA] =	sst s24  }
0x1c: {  	s14 =	simm.s32 $0xF400;
	s8 =	smul.u32 $0x500, s8;
	[smem:$0x7FB] =	sst s25  }
0x1d: {  	s15 =	simm.s32 $0x11400;
	s9 =	smul.u32 $0x500, s9;
	[smem:$0x7FC] =	sst s26  }
0x1e: {  	s19 =	sadd.s32 $0x800, s4;
	s10 =	simm.s32 $0x9;
	[smem:$0x7FD] =	sst s31  }
0x1f: {  	s20 =	simm.s32 $0x13C00;
	s21 =	simm.s32 $0x1;
	s22 =	simm.s32 $0x2  }
0x20: {  	s23 =	simm.s32 $0x3;
	[smem:$0x7F7] =	sst s19;
	s7 =	sadd.s32 s7, s6  }
0x21: {  	s24 =	simm.s32 $0x4;
	s16 =	sadd.s32 s8, s6;
	[dreg:$0x4] =	wrdreg s7  }
0x22: {  	s25 =	simm.s32 $0x5;
	s18 =	sadd.s32 s9, s6;
	[dreg:$0x5] =	wrdreg s16  }
0x23: {  	s26 =	simm.s32 $0x6;
	s6 =	sadd.s32 s17, s6;
	[dreg:$0x6] =	wrdreg s18  }
0x24: {  	s19 =	simm.s32 $0x13400;
	s8 =	simm.s32 $0x6C00;
	[dreg:$0x7] =	wrdreg s6  }
0x25: {  	s9 =	simm.s32 $0x7400;
	s17 =	simm.s32 $0xB400;
	[dreg:$0x13] =	wrdreg s8  }
0x26: {  	s7 =	simm.s32 $0x6400;
	[dreg:$0x14] =	wrdreg s9;
	s16 =	sshrl.u32 s1, $0x1  }
0x27: {  	[dreg:$0x1b] =	wrdreg s17;
	s18 =	simm.s32 $0xBC00;
	s6 =	sadd.s32 $0x200, s2  }
0x28: {  	v2 =	vlaneseq.u32;
	s8 =	sadd.s32 $0x400, s2;
	s17 =	simm.s32 $0x12400;
	[dreg:$0x12] =	wrdreg s7  }
0x29: {  	vm0 =	vmmov $0xffff;
	v1 =	vshrl.u32 v2, $0x3;
	s1 =	ssub.s32 s1, s16;
	[dreg:$0x1c] =	wrdreg s18;
	s7 =	sadd.s32 $0x300, s2  }
0x2a: {  	v0 =	vand.u32 $0x7, v2;
	v2 =	vor.u32 $0x8, v2;
	v1 =	vmul.u32 $0x8, v1;
	s16 =	simm.s32 $0x11C00;
	s18 =	simm.s32 $0x12C00;
	s9 =	smax.u32 s1, $0x1  }
.LBB2_1:
0x2b: {  	s0 =	sld [smem:$0x7F7];
	_ =	sdelay $0x2  }
0x2c: {  	[tilespmem:s3], [sflag:$0x9] =	stream.linear.gather [hbm4b:s0+s3], $0x400, $0x38;
	[tilespmem:$0x14400] =	vst v63  }
0x2d: {  	_ =	swait.ge [sflag:s10], $0x400  }
0x2e: {  	[sflag:s10] =	ssyncset.done $0x0  }
0x2f: {  	s31 =	simm.s32 $0x20;
	s1 =	simm.s32 $0x0;
	[sflag:s10] =	ssyncadd.s32 $0xFFFFFC00  }
.LBB2_2:
0x30: {  	p0 =	seq.s32 s1, $0x0  }
0x31: {  	s0 =	simm.s32 @!p0 $0x5  }
0x32: {  	_ =	swait.ge @!p0 [sflag:s0], $0x5000  }
0x33: {  	[sflag:s0] =	ssyncset.done @!p0 $0x0  }
0x34: {  	[sflag:s0] =	ssyncadd.s32 @!p0 $0xFFFFB000  }
0x35: {  	v3 =	vld [tilespmem:s31+$0xFFFFFFE0];
	_ =	sdelay $0x4  }
0x36: {  	v4 =	vshrl.u32 v3, $0x3  }
0x37: {  	v4 =	vmul.u32 $0x50, v4  }
0x38: {  	v3 =	vand.u32 $0x7, v3  }
0x39: {  	v3 =	vor.u32 v3, v4  }
0x3a: {  	v4 =	vperm.xlane v3, v0;
	_ =	sdelay $0x1  }
0x3b: {  	v4 =	vadd.s32 v1, v4;
	_ =	sdelay $0x4  }
0x3c: {  	[tilespmem:s11], [sflag:$0x1] =	stream.indirect_vreg.gather [hbm4b:s2+s3], $0x80, v4, vm0, $0xb8;
	[tilespmem:$0x14400] =	vst v63  }
0x3d: {  	s0 =	rddreg [dreg:$0x8]  }
0x3e: {  	[tilespmem:s0], [sflag:$0x1] =	stream.indirect_vreg.gather [hbm4b:s5+s3], $0x80, v4, vm0, $0xb8;
	[tilespmem:$0x14400] =	vst v63  }
0x3f: {  	s4 =	rddreg [dreg:$0x9];
	v3 =	vperm.xlane v3, v2  }
0x40: {  	[tilespmem:s4], [sflag:$0x1] =	stream.indirect_vreg.gather [hbm4b:s6+s3], $0x80, v4, vm0, $0xb8;
	[tilespmem:$0x14400] =	vst v63  }
0x41: {  	v3 =	vadd.s32 v1, v3;
	s0 =	rddreg [dreg:$0xa]  }
0x42: {  	[tilespmem:s0], [sflag:$0x1] =	stream.indirect_vreg.gather [hbm4b:s7+s3], $0x80, v4, vm0, $0xb8;
	[tilespmem:$0x14400] =	vst v63  }
0x43: {  	s4 =	rddreg [dreg:$0xb]  }
0x44: {  	[tilespmem:s4], [sflag:$0x1] =	stream.indirect_vreg.gather [hbm4b:s8+s3], $0x80, v4, vm0, $0xb8;
	[tilespmem:$0x14400] =	vst v63  }
0x45: {  	s0 =	rddreg [dreg:$0xc]  }
0x46: {  	[tilespmem:s0], [sflag:$0x1] =	stream.indirect_vreg.gather [hbm4b:s2+s3], $0x80, v3, vm0, $0xb8;
	[tilespmem:$0x14400] =	vst v63  }
0x47: {  	s4 =	rddreg [dreg:$0xd]  }
0x48: {  	[tilespmem:s4], [sflag:$0x1] =	stream.indirect_vreg.gather [hbm4b:s5+s3], $0x80, v3, vm0, $0xb8;
	[tilespmem:$0x14400] =	vst v63  }
0x49: {  	s0 =	rddreg [dreg:$0xe]  }
0x4a: {  	[tilespmem:s0], [sflag:$0x1] =	stream.indirect_vreg.gather [hbm4b:s6+s3], $0x80, v3, vm0, $0xb8;
	[tilespmem:$0x14400] =	vst v63  }
0x4b: {  	s4 =	rddreg [dreg:$0xf]  }
0x4c: {  	[tilespmem:s4], [sflag:$0x1] =	stream.indirect_vreg.gather [hbm4b:s7+s3], $0x80, v3, vm0, $0xb8;
	[tilespmem:$0x14400] =	vst v63  }
0x4d: {  	s0 =	rddreg [dreg:$0x10]  }
0x4e: {  	[tilespmem:s0], [sflag:$0x1] =	stream.indirect_vreg.gather [hbm4b:s8+s3], $0x80, v3, vm0, $0xb8;
	[tilespmem:$0x14400] =	vst v63  }
0x4f: {  	s0 =	simm.s32 @!p0 $0x6  }
0x50: {  	_ =	swait.ge @!p0 [sflag:s0], $0x5000  }
0x51: {  	[sflag:s0] =	ssyncset.done @!p0 $0x0  }
0x52: {  	[sflag:s0] =	ssyncadd.s32 @!p0 $0xFFFFB000  }
0x53: {  	v3 =	vld [tilespmem:s31+$0xFFFFFFF0];
	_ =	sdelay $0x4  }
0x54: {  	v61 =	vshrl.u32 v3, $0x3  }
0x55: {  	v4 =	vmul.u32 $0x50, v61  }
0x56: {  	v3 =	vand.u32 $0x7, v3  }
0x57: {  	v3 =	vor.u32 v3, v4  }
0x58: {  	v4 =	vperm.xlane v3, v0;
	_ =	sdelay $0x1  }
0x59: {  	v4 =	vadd.s32 v1, v4;
	_ =	sdelay $0x4  }
0x5a: {  	[tilespmem:s12], [sflag:$0x2] =	stream.indirect_vreg.gather [hbm4b:s2+s3], $0x80, v4, vm0, $0xb8;
	[tilespmem:$0x14400] =	vst v63  }
0x5b: {  	s0 =	rddreg [dreg:$0x11]  }
0x5c: {  	[tilespmem:s0], [sflag:$0x2] =	stream.indirect_vreg.gather [hbm4b:s5+s3], $0x80, v4, vm0, $0xb8;
	[tilespmem:$0x14400] =	vst v63  }
0x5d: {  	s4 =	rddreg [dreg:$0x12];
	v3 =	vperm.xlane v3, v2  }
0x5e: {  	[tilespmem:s4], [sflag:$0x2] =	stream.indirect_vreg.gather [hbm4b:s6+s3], $0x80, v4, vm0, $0xb8;
	[tilespmem:$0x14400] =	vst v63  }
0x5f: {  	v3 =	vadd.s32 v1, v3;
	s0 =	rddreg [dreg:$0x13]  }
0x60: {  	[tilespmem:s0], [sflag:$0x2] =	stream.indirect_vreg.gather [hbm4b:s7+s3], $0x80, v4, vm0, $0xb8;
	[tilespmem:$0x14400] =	vst v63  }
0x61: {  	s4 =	rddreg [dreg:$0x14]  }
0x62: {  	[tilespmem:s4], [sflag:$0x2] =	stream.indirect_vreg.gather [hbm4b:s8+s3], $0x80, v4, vm0, $0xb8;
	[tilespmem:$0x14400] =	vst v63  }
0x63: {  	s0 =	rddreg [dreg:$0x15]  }
0x64: {  	[tilespmem:s0], [sflag:$0x2] =	stream.indirect_vreg.gather [hbm4b:s2+s3], $0x80, v3, vm0, $0xb8;
	[tilespmem:$0x14400] =	vst v63  }
0x65: {  	s4 =	rddreg [dreg:$0x16]  }
0x66: {  	[tilespmem:s4], [sflag:$0x2] =	stream.indirect_vreg.gather [hbm4b:s5+s3], $0x80, v3, vm0, $0xb8;
	[tilespmem:$0x14400] =	vst v63  }
0x67: {  	s0 =	rddreg [dreg:$0x17]  }
0x68: {  	[tilespmem:s0], [sflag:$0x2] =	stream.indirect_vreg.gather [hbm4b:s6+s3], $0x80, v3, vm0, $0xb8;
	[tilespmem:$0x14400] =	vst v63  }
0x69: {  	s4 =	rddreg [dreg:$0x18]  }
0x6a: {  	[tilespmem:s4], [sflag:$0x2] =	stream.indirect_vreg.gather [hbm4b:s7+s3], $0x80, v3, vm0, $0xb8;
	[tilespmem:$0x14400] =	vst v63  }
0x6b: {  	s0 =	rddreg [dreg:$0x19]  }
0x6c: {  	[tilespmem:s0], [sflag:$0x2] =	stream.indirect_vreg.gather [hbm4b:s8+s3], $0x80, v3, vm0, $0xb8;
	[tilespmem:$0x14400] =	vst v63  }
0x6d: {  	s0 =	simm.s32 @!p0 $0x7  }
0x6e: {  	_ =	swait.ge @!p0 [sflag:s0], $0x5000  }
0x6f: {  	[sflag:s0] =	ssyncset.done @!p0 $0x0  }
0x70: {  	[sflag:s0] =	ssyncadd.s32 @!p0 $0xFFFFB000  }
0x71: {  	v3 =	vld [tilespmem:s31+$0x0];
	_ =	sdelay $0x4  }
0x72: {  	v62 =	vshrl.u32 v3, $0x3  }
0x73: {  	v4 =	vmul.u32 $0x50, v62  }
0x74: {  	v3 =	vand.u32 $0x7, v3  }
0x75: {  	v3 =	vor.u32 v3, v4  }
0x76: {  	v4 =	vperm.xlane v3, v0;
	_ =	sdelay $0x1  }
0x77: {  	v4 =	vadd.s32 v1, v4;
	_ =	sdelay $0x3  }
0x78: {  	s4 =	rddreg [dreg:$0x1b]  }
0x79: {  	[tilespmem:s13], [sflag:$0x3] =	stream.indirect_vreg.gather [hbm4b:s2+s3], $0x80, v4, vm0, $0xb8;
	[tilespmem:$0x14400] =	vst v63  }
0x7a: {  	s0 =	rddreg [dreg:$0x1a]  }
0x7b: {  	[tilespmem:s0], [sflag:$0x3] =	stream.indirect_vreg.gather [hbm4b:s5+s3], $0x80, v4, vm0, $0xb8;
	[tilespmem:$0x14400] =	vst v63  }
0x7c: {  	v3 =	vperm.xlane v3, v2;
	s0 =	rddreg [dreg:$0x1c]  }
0x7d: {  	[tilespmem:s4], [sflag:$0x3] =	stream.indirect_vreg.gather [hbm4b:s6+s3], $0x80, v4, vm0, $0xb8;
	[tilespmem:$0x14400] =	vst v63  }
0x7e: {  	v3 =	vadd.s32 v1, v3;
	s4 =	rddreg [dreg:$0x1d]  }
0x7f: {  	[tilespmem:s0], [sflag:$0x3] =	stream.indirect_vreg.gather [hbm4b:s7+s3], $0x80, v4, vm0, $0xb8;
	[tilespmem:$0x14400] =	vst v63  }
0x80: {  	s0 =	rddreg [dreg:$0x1e]  }
0x81: {  	[tilespmem:s4], [sflag:$0x3] =	stream.indirect_vreg.gather [hbm4b:s8+s3], $0x80, v4, vm0, $0xb8;
	[tilespmem:$0x14400] =	vst v63  }
0x82: {  	s4 =	rddreg [dreg:$0x1f]  }
0x83: {  	[tilespmem:s0], [sflag:$0x3] =	stream.indirect_vreg.gather [hbm4b:s2+s3], $0x80, v3, vm0, $0xb8;
	[tilespmem:$0x14400] =	vst v63  }
0x84: {  	s0 =	sld [smem:$0x7F8]  }
0x85: {  	[tilespmem:s4], [sflag:$0x3] =	stream.indirect_vreg.gather [hbm4b:s5+s3], $0x80, v3, vm0, $0xb8;
	[tilespmem:$0x14400] =	vst v63  }
0x86: {  	s4 =	sld [smem:$0x7F9]  }
0x87: {  	[tilespmem:s0], [sflag:$0x3] =	stream.indirect_vreg.gather [hbm4b:s6+s3], $0x80, v3, vm0, $0xb8;
	[tilespmem:$0x14400] =	vst v63  }
0x88: {  	s0 =	sld [smem:$0x7FA]  }
0x89: {  	[tilespmem:s4], [sflag:$0x3] =	stream.indirect_vreg.gather [hbm4b:s7+s3], $0x80, v3, vm0, $0xb8;
	[tilespmem:$0x14400] =	vst v63  }
0x8a: {  	_ = 	snop  }
0x8b: {  	[tilespmem:s0], [sflag:$0x3] =	stream.indirect_vreg.gather [hbm4b:s8+s3], $0x80, v3, vm0, $0xb8;
	[tilespmem:$0x14400] =	vst v63  }
0x8c: {  	s0 =	simm.s32 @!p0 $0x8  }
0x8d: {  	_ =	swait.ge @!p0 [sflag:s0], $0x5000  }
0x8e: {  	[sflag:s0] =	ssyncset.done @!p0 $0x0  }
0x8f: {  	[sflag:s0] =	ssyncadd.s32 @!p0 $0xFFFFB000  }
0x90: {  	v3 =	vld [tilespmem:s31+$0x10];
	_ =	sdelay $0x4  }
0x91: {  	v63 =	vshrl.u32 v3, $0x3  }
0x92: {  	v4 =	vmul.u32 $0x50, v63  }
0x93: {  	v3 =	vand.u32 $0x7, v3  }
0x94: {  	v3 =	vor.u32 v3, v4  }
0x95: {  	v4 =	vperm.xlane v3, v0;
	_ =	sdelay $0x1  }
0x96: {  	v4 =	vadd.s32 v1, v4;
	_ =	sdelay $0x3  }
0x97: {  	s0 =	sld [smem:$0x7FB]  }
0x98: {  	[tilespmem:s14], [sflag:$0x4] =	stream.indirect_vreg.gather [hbm4b:s2+s3], $0x80, v4, vm0, $0xb8;
	[tilespmem:$0x14400] =	vst v63  }
0x99: {  	s4 =	sld [smem:$0x7FC]  }
0x9a: {  	[tilespmem:s0], [sflag:$0x4] =	stream.indirect_vreg.gather [hbm4b:s5+s3], $0x80, v4, vm0, $0xb8;
	[tilespmem:$0x14400] =	vst v63  }
0x9b: {  	v3 =	vperm.xlane v3, v2;
	s0 =	sld [smem:$0x7FD]  }
0x9c: {  	[tilespmem:s4], [sflag:$0x4] =	stream.indirect_vreg.gather [hbm4b:s6+s3], $0x80, v4, vm0, $0xb8;
	[tilespmem:$0x14400] =	vst v63  }
0x9d: {  	v3 =	vadd.s32 v1, v3  }
0x9e: {  	[tilespmem:s0], [sflag:$0x4] =	stream.indirect_vreg.gather [hbm4b:s7+s3], $0x80, v4, vm0, $0xb8;
	[tilespmem:$0x14400] =	vst v63  }
0x9f: {  	_ = 	snop  }
0xa0: {  	[tilespmem:s15], [sflag:$0x4] =	stream.indirect_vreg.gather [hbm4b:s8+s3], $0x80, v4, vm0, $0xb8;
	[tilespmem:$0x14400] =	vst v63  }
0xa1: {  	_ = 	snop  }
0xa2: {  	[tilespmem:s16], [sflag:$0x4] =	stream.indirect_vreg.gather [hbm4b:s2+s3], $0x80, v3, vm0, $0xb8;
	[tilespmem:$0x14400] =	vst v63  }
0xa3: {  	_ = 	snop  }
0xa4: {  	[tilespmem:s17], [sflag:$0x4] =	stream.indirect_vreg.gather [hbm4b:s5+s3], $0x80, v3, vm0, $0xb8;
	[tilespmem:$0x14400] =	vst v63  }
0xa5: {  	_ = 	snop  }
0xa6: {  	[tilespmem:s18], [sflag:$0x4] =	stream.indirect_vreg.gather [hbm4b:s6+s3], $0x80, v3, vm0, $0xb8;
	[tilespmem:$0x14400] =	vst v63  }
0xa7: {  	_ = 	snop  }
0xa8: {  	[tilespmem:s19], [sflag:$0x4] =	stream.indirect_vreg.gather [hbm4b:s7+s3], $0x80, v3, vm0, $0xb8;
	[tilespmem:$0x14400] =	vst v63  }
0xa9: {  	_ = 	snop  }
0xaa: {  	[tilespmem:s20], [sflag:$0x4] =	stream.indirect_vreg.gather [hbm4b:s8+s3], $0x80, v3, vm0, $0xb8;
	[tilespmem:$0x14400] =	vst v63  }
0xab: {  	_ =	swait.ge [sflag:s21], $0x5000  }
0xac: {  	s4 =	rddreg [dreg:$0x7];
	[sflag:s21] =	ssyncset.done $0x0  }
0xad: {  	[sflag:s21] =	ssyncadd.s32 $0xFFFFB000;
	s0 =	sadd.s32 s1, s4  }
0xae: {  	[hbm4b:s0+s3] =	stream.linear.scatter [tilespmem:s11], [sflag:$0x5], $0x5000, $0x38;
	[tilespmem:$0x14400] =	vst v63  }
0xaf: {  	_ =	swait.ge [sflag:s22], $0x5000  }
0xb0: {  	s4 =	rddreg [dreg:$0x5];
	[sflag:s22] =	ssyncset.done $0x0  }
0xb1: {  	[sflag:s22] =	ssyncadd.s32 $0xFFFFB000;
	s0 =	sadd.s32 s1, s4  }
0xb2: {  	[hbm4b:s0+s3] =	stream.linear.scatter [tilespmem:s12], [sflag:$0x6], $0x5000, $0x38;
	[tilespmem:$0x14400] =	vst v63  }
0xb3: {  	_ =	swait.ge [sflag:s23], $0x5000  }
0xb4: {  	s4 =	rddreg [dreg:$0x4];
	[sflag:s23] =	ssyncset.done $0x0  }
0xb5: {  	[sflag:s23] =	ssyncadd.s32 $0xFFFFB000;
	s0 =	sadd.s32 s1, s4  }
0xb6: {  	[hbm4b:s0+s3] =	stream.linear.scatter [tilespmem:s13], [sflag:$0x7], $0x5000, $0x38;
	[tilespmem:$0x14400] =	vst v63  }
0xb7: {  	_ =	swait.ge [sflag:s24], $0x5000  }
0xb8: {  	s4 =	rddreg [dreg:$0x6]  }
0xb9: {  	s0 =	sadd.s32 s1, s4;
	s1 =	sadd.s32 $0x2800, s1  }
0xba: {  	p0 =	sne.s32 s1, $0x28000  }
.Ltmp0:
0xbb: {  	_ = 	snop;
	(pc) =	sbr.rel @p0 .LBB2_2-.Ltmp0, $4  }
0xbc: {  	_ = 	snop  }
0xbd: {  	[sflag:s24] =	ssyncset.done $0x0  }
0xbe: {  	s31 =	sadd.s32 $0x40, s31;
	[sflag:s24] =	ssyncadd.s32 $0xFFFFB000  }
0xbf: {  	[hbm4b:s0+s3] =	stream.linear.scatter [tilespmem:s14], [sflag:$0x8], $0x5000, $0x38;
	[tilespmem:$0x14400] =	vst v63  }
0xc0: {  	_ =	swait.ge [sflag:s25], $0x5000  }
0xc1: {  	[sflag:s25] =	ssyncset.done $0x0  }
0xc2: {  	[sflag:s25] =	ssyncadd.s32 $0xFFFFB000  }
0xc3: {  	_ =	swait.ge [sflag:s26], $0x5000  }
0xc4: {  	[sflag:s26] =	ssyncset.done $0x0  }
0xc5: {  	s30 =	sadd.s32 $0x1, s30;
	[sflag:s26] =	ssyncadd.s32 $0xFFFFB000  }
0xc6: {  	p0 =	sne.s32 s30, s9;
	_ =	swait.ge [sflag:s28], $0x5000  }
.Ltmp1:
0xc7: {  	[sflag:s28] =	ssyncset.done $0x0;
	(pc) =	sbr.rel @p0 .LBB2_1-.Ltmp1, $4  }
0xc8: {  	[sflag:s28] =	ssyncadd.s32 $0xFFFFB000  }
0xc9: {  	_ =	swait.ge [sflag:s29], $0x5000  }
0xca: {  	[sflag:s29] =	ssyncset.done $0x0  }
0xcb: {  	[sflag:s29] =	ssyncadd.s32 $0xFFFFB000  }
0xcc: {  	_ =	sfence.sel $0x180000  }
0xcd: {  	[bflag:$0x0] =	sbarrier.arrive $0xFFFF  }
0xce: {  	_ =	strace $0x90000047  }
0xcf: {  	s0 =	stileid.u32;
	[bflag:$0x2] =	sbarrier.arrive $0xFFFF  }
0xd0: {  	p0 =	sne.s32 s0, $0x0;
	s0 =	rddreg [dreg:$0x3]  }
0xd1: {  	s0 =	sadd.s32 @!p0 $0x100000, s0  }
0xd2: {  	[sflag:s0] =	ssyncadd.tile.s32 @!p0 $0x1;
	_ =	shalt  }
.Lfunc_end2:
_tile_overlayer_lowered:
.L_overlay_start_2:
0xd3: {  	(tag) =	ssettag $0x2  }
0xd4: {  	s0 =	rddreg [dreg:$0x0];
	s2 =	stileid.u32  }
0xd5: {  	s1 =	rddreg [dreg:$0x1];
	p0 =	sne.s32 s2, $0x0  }
0xd6: {  	s3 =	rddreg [dreg:$0x2];
	[bflag:$0x3] =	sbarrier.arrive $0xFFFF;
	s2 =	simm.s32 @!p0 $0x1C09  }
0xd7: {  	[timem:s3], [sflag:s2] =	dma.local @!p0 [hbm:s0], s1  }
0xd8: {  	s0 =	simm.s32 @!p0 $0x9  }
0xd9: {  	_ =	swait.ge @!p0 [sflag:s0], s1  }
0xda: {  	s1 =	ssub.s32 @!p0 $0x0, s1;
	[sflag:s0] =	ssyncset.done @!p0 $0x0  }
0xdb: {  	[sflag:s0] =	ssyncadd.s32 @!p0 s1  }
0xdc: {  	[bflag:$0x3] =	sbarrier.arrive $0xFFFF  }
0xdd: {  	_ =	shalt  }

</sc_bundles>
